<compile_context>
chip_gen: v7x
topology: tpu7x:2x2x1
jax: 0.10.2.dev20260603
libtpu: 0.0.44.dev20260713+nightly
codegen_flags: <defaults>
</compile_context>

<pallas_src>
import jax
import jax.numpy as jnp
from jax import lax
from jax.experimental import pallas as pl
from jax.experimental.pallas import tpu as pltpu, tpu_sc as plsc

B = 4096
F = 26
V = 100001
D = 16
C = 4

NC = 2
NS = 16
NW = NC * NS
BPW = B // NW
SLOTS = F + 1
QPW = SLOTS * BPW
LANES = 16


def _body(tab_hbm, idx_hbm, cont_hbm, par_hbm, out_hbm,
          idx_v, cont_v, par_v, blk_v, dsem):
    wid = lax.axis_index("c") * NS + lax.axis_index("s")
    base = wid * BPW

    pltpu.sync_copy(idx_hbm.at[:, pl.ds(base, BPW)], idx_v)
    pltpu.sync_copy(cont_hbm.at[:, pl.ds(base, BPW)], cont_v)
    pltpu.sync_copy(par_hbm, par_v)

    def gather_fire(f, _):
        pltpu.async_copy(
            tab_hbm.at[f].at[idx_v.at[f], :],
            blk_v.at[pl.ds(f * BPW, BPW)],
            dsem,
        )
        return ()

    lax.fori_loop(0, F, gather_fire, (), unroll=False)

    def gather_drain(f, _):
        pltpu.make_async_copy(
            tab_hbm.at[f].at[idx_v.at[f], :],
            blk_v.at[pl.ds(f * BPW, BPW)],
            dsem,
        ).wait()
        return ()

    lax.fori_loop(0, F, gather_drain, (), unroll=False)

    a_rows = [par_v[c, :] for c in range(C)]
    bias_row = par_v[C, :]

    def mlp_row(j, _):
        acc = bias_row
        for c in range(C):
            x = plsc.load_gather(cont_v, [jnp.full((LANES,), c, jnp.int32),
                                          jnp.full((LANES,), j, jnp.int32)])
            acc = acc + x * a_rows[c]
        blk_v[F * BPW + j, :] = acc
        return ()

    lax.fori_loop(0, BPW, mlp_row, (), unroll=False)

    pltpu.sync_copy(blk_v, out_hbm.at[wid])


@jax.jit
def _run(tab, idx_t, cont_t, par):
    mesh = plsc.VectorSubcoreMesh(core_axis_name="c", subcore_axis_name="s",
                                  num_cores=NC, num_subcores=NS)
    kern = pl.kernel(
        _body,
        out_type=jax.ShapeDtypeStruct((NW, QPW, D), jnp.float32),
        mesh=mesh,
        scratch_types=[
            pltpu.VMEM((F, BPW), jnp.int32),
            pltpu.VMEM((C, BPW), jnp.float32),
            pltpu.VMEM((C + 1, D), jnp.float32),
            pltpu.VMEM((QPW, D), jnp.float32),
            pltpu.SemaphoreType.DMA,
        ],
        compiler_params=pltpu.CompilerParams(use_tc_tiling_on_sc=False,
                                             needs_layout_passes=False),
    )
    return kern(tab, idx_t, cont_t, par)


def kernel(indices, cont, tables, means, variances, W, b):
    idx_t = indices.astype(jnp.int32).T
    cont_t = cont.astype(jnp.float32).T

    inv_std = 1.0 / jnp.sqrt(variances.astype(jnp.float32))
    A = W.astype(jnp.float32) * inv_std[:, None]
    bias = b.astype(jnp.float32) - (means.astype(jnp.float32) * inv_std) @ W
    par = jnp.concatenate([A, bias[None, :]], axis=0)

    out = _run(tables, idx_t, cont_t, par)
    return (out.reshape(NW, SLOTS, BPW, D)
               .transpose(0, 2, 1, 3)
               .reshape(B, SLOTS, D))

# --- scband reference (transcript-rebuilt; emitter-appended) ---
"""Pipeline reference for scband-query-model-6614249636036 (READ-ONLY COPY).

The authoritative reference and input builder live on the scoring server;
editing this copy changes nothing except your own understanding.
"""

import jax, jax.numpy as jnp
import numpy as np

B = 4096      # batch
F = 26        # number of integer (sparse) features
V = 100001    # vocab_size + 1 (IntegerLookup OOV bucket)
D = 16        # embedding_dim
C = 4         # number of continuous features


def setup_inputs(seed: int = 0) -> dict:
    key = jax.random.key(seed)
    k1, k2, k3, k4, k5, k6 = jax.random.split(key, 6)
    # post-lookup integer ids for each of the F sparse features
    indices = jax.random.randint(k1, (B, F), 0, V).astype(jnp.int64)
    # raw continuous features
    cont = jax.random.normal(k2, (B, C), dtype=jnp.float32)
    # one embedding table per sparse feature, stacked: [F, V, D]
    tables = jax.random.normal(k3, (F, V, D), dtype=jnp.float32) * 0.02
    # Normalization layer statistics (per continuous feature)
    means = jax.random.normal(k4, (C,), dtype=jnp.float32)
    variances = jax.random.uniform(k5, (C,), minval=0.5, maxval=1.5, dtype=jnp.float32)
    # Dense MLP projecting concatenated continuous features to embedding_dim
    W = jax.random.normal(k6, (C, D), dtype=jnp.float32) * 0.1
    b = jnp.zeros((D,), dtype=jnp.float32)
    return {"indices": indices, "cont": cont, "tables": tables,
            "means": means, "variances": variances, "W": W, "b": b}


def reference(indices, cont, tables, means, variances, W, b):
    # per-feature embedding lookup: tables[f][indices[:, f]] -> [B, F, D]
    emb = jax.vmap(lambda t, idx: jnp.take(t, idx, axis=0),
                   in_axes=(0, 1), out_axes=1)(tables, indices)
    # Keras Normalization: (x - mean) / sqrt(var), then Reshape((1,)) + concat
    normed = (cont - means[None, :]) / jnp.sqrt(variances[None, :])
    # Dense(embedding_dim)
    mlp_out = normed @ W + b  # [B, D]
    # tf.stack(embeddings, axis=1) -> [B, F+1, D]
    return jnp.concatenate([emb, mlp_out[:, None, :]], axis=1)

if __name__ == "__main__":
    import jax
    _d = setup_inputs()
    print(jax.jit(kernel)(*tuple(_d.values())))

</pallas_src>

<mosaic_0001>
#map = affine_map<(d0, d1) -> (0, 0, 0)>
#map1 = affine_map<(d0, d1) -> (0, 0)>
module attributes {stable_mosaic.version = 14 : i64} {
  func.func @_body(%arg0: i32, %arg1: i32, %arg2: memref<26x100001x16xf32, #tpu.memory_space<hbm>>, %arg3: memref<26x4096xi32, #tpu.memory_space<hbm>>, %arg4: memref<4x4096xf32, #tpu.memory_space<hbm>>, %arg5: memref<5x16xf32, #tpu.memory_space<hbm>>, %arg6: memref<32x3456x16xf32, #tpu.memory_space<hbm>>, %arg7: memref<26x128xi32, #tpu.memory_space<vmem>>, %arg8: memref<4x128xf32, #tpu.memory_space<vmem>>, %arg9: memref<5x16xf32, #tpu.memory_space<vmem>>, %arg10: memref<3456x16xf32, #tpu.memory_space<vmem>>, %arg11: memref<!tpu.dma_semaphore, #tpu.memory_space<semaphore_mem>>) attributes {dimension_semantics = [#tpu.dimension_semantics<core_parallel>, #tpu.dimension_semantics<subcore_parallel>], iteration_bounds = array<i64: 2, 16>, scalar_prefetch = 0 : i64, scratch_operands = 5 : i64, tpu.core_type = #tpu.core_type<sc_vector_subcore>, window_params = [{transform_indices = #map}, {transform_indices = #map1}, {transform_indices = #map1}, {transform_indices = #map1}, {transform_indices = #map}]} {
    %mul3A = arith.constant 16 : i32
    %mul3A_0 = arith.muli %arg0, %mul3A : i32
    %add3A = arith.addi %mul3A_0, %arg1 : i32
    %mul3A_1 = arith.constant 128 : i32
    %mul3A_2 = arith.muli %add3A, %mul3A_1 : i32
    "tpu.region"() ({
      %run_scoped3A = tpu.sem_alloc : memref<!tpu.dma_semaphore, #tpu.memory_space<semaphore_mem>>
      %dma_start3A = arith.constant 0 : i32
      %dma_start3A_36 = tpu.memref_slice %arg3[%dma_start3A, %mul3A_2] : memref<26x4096xi32, #tpu.memory_space<hbm>> -> memref<26x128xi32, #tpu.memory_space<hbm>>
      %dma_start3A_37 = arith.constant 0 : i32
      %dma_start3A_38 = tpu.memref_slice %arg3[%dma_start3A_37, %mul3A_2] : memref<26x4096xi32, #tpu.memory_space<hbm>> -> memref<26x128xi32, #tpu.memory_space<hbm>>
      tpu.enqueue_dma source(%dma_start3A_38 : memref<26x128xi32, #tpu.memory_space<hbm>>) target(%arg7 : memref<26x128xi32, #tpu.memory_space<vmem>>) target_semaphore(%run_scoped3A : memref<!tpu.dma_semaphore, #tpu.memory_space<semaphore_mem>>)
      %dma_wait3A = arith.constant 0 : i32
      %dma_wait3A_39 = tpu.memref_slice %arg3[%dma_wait3A, %mul3A_2] : memref<26x4096xi32, #tpu.memory_space<hbm>> -> memref<26x128xi32, #tpu.memory_space<hbm>>
      %dma_wait3A_40 = arith.constant 0 : i32
      %dma_wait3A_41 = tpu.memref_slice %arg3[%dma_wait3A_40, %mul3A_2] : memref<26x4096xi32, #tpu.memory_space<hbm>> -> memref<26x128xi32, #tpu.memory_space<hbm>>
      tpu.wait_dma2 semaphore(%run_scoped3A : memref<!tpu.dma_semaphore, #tpu.memory_space<semaphore_mem>>) src(%dma_wait3A_41 : memref<26x128xi32, #tpu.memory_space<hbm>>) dst(%arg7 : memref<26x128xi32, #tpu.memory_space<vmem>>)
      tpu.yield
    }) : () -> ()
    "tpu.region"() ({
      %run_scoped3A = tpu.sem_alloc : memref<!tpu.dma_semaphore, #tpu.memory_space<semaphore_mem>>
      %dma_start3A = arith.constant 0 : i32
      %dma_start3A_36 = tpu.memref_slice %arg4[%dma_start3A, %mul3A_2] : memref<4x4096xf32, #tpu.memory_space<hbm>> -> memref<4x128xf32, #tpu.memory_space<hbm>>
      %dma_start3A_37 = arith.constant 0 : i32
      %dma_start3A_38 = tpu.memref_slice %arg4[%dma_start3A_37, %mul3A_2] : memref<4x4096xf32, #tpu.memory_space<hbm>> -> memref<4x128xf32, #tpu.memory_space<hbm>>
      tpu.enqueue_dma source(%dma_start3A_38 : memref<4x128xf32, #tpu.memory_space<hbm>>) target(%arg8 : memref<4x128xf32, #tpu.memory_space<vmem>>) target_semaphore(%run_scoped3A : memref<!tpu.dma_semaphore, #tpu.memory_space<semaphore_mem>>)
      %dma_wait3A = arith.constant 0 : i32
      %dma_wait3A_39 = tpu.memref_slice %arg4[%dma_wait3A, %mul3A_2] : memref<4x4096xf32, #tpu.memory_space<hbm>> -> memref<4x128xf32, #tpu.memory_space<hbm>>
      %dma_wait3A_40 = arith.constant 0 : i32
      %dma_wait3A_41 = tpu.memref_slice %arg4[%dma_wait3A_40, %mul3A_2] : memref<4x4096xf32, #tpu.memory_space<hbm>> -> memref<4x128xf32, #tpu.memory_space<hbm>>
      tpu.wait_dma2 semaphore(%run_scoped3A : memref<!tpu.dma_semaphore, #tpu.memory_space<semaphore_mem>>) src(%dma_wait3A_41 : memref<4x128xf32, #tpu.memory_space<hbm>>) dst(%arg8 : memref<4x128xf32, #tpu.memory_space<vmem>>)
      tpu.yield
    }) : () -> ()
    "tpu.region"() ({
      %run_scoped3A = tpu.sem_alloc : memref<!tpu.dma_semaphore, #tpu.memory_space<semaphore_mem>>
      tpu.enqueue_dma source(%arg5 : memref<5x16xf32, #tpu.memory_space<hbm>>) target(%arg9 : memref<5x16xf32, #tpu.memory_space<vmem>>) target_semaphore(%run_scoped3A : memref<!tpu.dma_semaphore, #tpu.memory_space<semaphore_mem>>)
      tpu.wait_dma2 semaphore(%run_scoped3A : memref<!tpu.dma_semaphore, #tpu.memory_space<semaphore_mem>>) src(%arg5 : memref<5x16xf32, #tpu.memory_space<hbm>>) dst(%arg9 : memref<5x16xf32, #tpu.memory_space<vmem>>)
      tpu.yield
    }) : () -> ()
    %scan3A = arith.constant 0 : i32
    %scan3A_3 = arith.constant 26 : i32
    %scan3A_4 = arith.addi %scan3A, %scan3A_3 : i32
    %scan3A_5 = arith.constant 1 : i32
    scf.for %scan3A_36 = %scan3A to %scan3A_4 step %scan3A_5  : i32 {
      %mul3A_37 = arith.constant 128 : i32
      %mul3A_38 = arith.muli %scan3A_36, %mul3A_37 : i32
      %dma_start3A = arith.constant 0 : i32
      %dma_start3A_39 = tpu.memref_slice %arg10[%mul3A_38, %dma_start3A] : memref<3456x16xf32, #tpu.memory_space<vmem>> -> memref<128x16xf32, #tpu.memory_space<vmem>>
      %dma_start3A_40 = arith.constant 0 : i32
      %dma_start3A_41 = tpu.memref_slice %arg7[%scan3A_36, %dma_start3A_40] : memref<26x128xi32, #tpu.memory_space<vmem>> -> memref<1x128xi32, #tpu.memory_space<vmem>>
      %dma_start3A_42 = tpu.memref_squeeze %dma_start3A_41 : memref<1x128xi32, #tpu.memory_space<vmem>> -> memref<128xi32, #tpu.memory_space<vmem>>
      %dma_start3A_43 = arith.constant 0 : i32
      %dma_start3A_44 = arith.constant 0 : i32
      %dma_start3A_45 = tpu.memref_slice %arg2[%scan3A_36, %dma_start3A_43, %dma_start3A_44] : memref<26x100001x16xf32, #tpu.memory_space<hbm>> -> memref<1x100001x16xf32, #tpu.memory_space<hbm>>
      %dma_start3A_46 = tpu.memref_squeeze %dma_start3A_45 : memref<1x100001x16xf32, #tpu.memory_space<hbm>> -> memref<100001x16xf32, #tpu.memory_space<hbm>>
      %dma_start3A_47 = arith.constant 0 : i32
      %dma_start3A_48 = arith.constant 0 : i32
      %dma_start3A_49 = tpu.memref_slice %dma_start3A_46[%dma_start3A_47, %dma_start3A_48] : memref<100001x16xf32, #tpu.memory_space<hbm>> -> memref<100001x16xf32, #tpu.memory_space<hbm>>
      tpu.enqueue_indirect_dma source(%dma_start3A_49 : memref<100001x16xf32, #tpu.memory_space<hbm>>) target(%dma_start3A_39 : memref<128x16xf32, #tpu.memory_space<vmem>>) offsets(%dma_start3A_42 : memref<128xi32, #tpu.memory_space<vmem>>) semaphore(%arg11 : memref<!tpu.dma_semaphore, #tpu.memory_space<semaphore_mem>>)
    }
    %scan3A_6 = arith.constant 26 : i32
    %scan3A_7 = arith.constant 0 : i32
    %scan3A_8 = arith.constant 26 : i32
    %scan3A_9 = arith.addi %scan3A_7, %scan3A_8 : i32
    %scan3A_10 = arith.constant 1 : i32
    scf.for %scan3A_36 = %scan3A_7 to %scan3A_9 step %scan3A_10  : i32 {
      %mul3A_37 = arith.constant 128 : i32
      %mul3A_38 = arith.muli %scan3A_36, %mul3A_37 : i32
      %dma_wait3A = arith.constant 0 : i32
      %dma_wait3A_39 = tpu.memref_slice %arg10[%mul3A_38, %dma_wait3A] : memref<3456x16xf32, #tpu.memory_space<vmem>> -> memref<128x16xf32, #tpu.memory_space<vmem>>
      %dma_wait3A_40 = arith.constant 0 : i32
      %dma_wait3A_41 = tpu.memref_slice %arg7[%scan3A_36, %dma_wait3A_40] : memref<26x128xi32, #tpu.memory_space<vmem>> -> memref<1x128xi32, #tpu.memory_space<vmem>>
      %dma_wait3A_42 = tpu.memref_squeeze %dma_wait3A_41 : memref<1x128xi32, #tpu.memory_space<vmem>> -> memref<128xi32, #tpu.memory_space<vmem>>
      %dma_wait3A_43 = arith.constant 0 : i32
      %dma_wait3A_44 = arith.constant 0 : i32
      %dma_wait3A_45 = tpu.memref_slice %arg2[%scan3A_36, %dma_wait3A_43, %dma_wait3A_44] : memref<26x100001x16xf32, #tpu.memory_space<hbm>> -> memref<1x100001x16xf32, #tpu.memory_space<hbm>>
      %dma_wait3A_46 = tpu.memref_squeeze %dma_wait3A_45 : memref<1x100001x16xf32, #tpu.memory_space<hbm>> -> memref<100001x16xf32, #tpu.memory_space<hbm>>
      %dma_wait3A_47 = arith.constant 0 : i32
      %dma_wait3A_48 = arith.constant 0 : i32
      %dma_wait3A_49 = tpu.memref_slice %dma_wait3A_46[%dma_wait3A_47, %dma_wait3A_48] : memref<100001x16xf32, #tpu.memory_space<hbm>> -> memref<100001x16xf32, #tpu.memory_space<hbm>>
      tpu.wait_indirect_dma semaphore(%arg11 : memref<!tpu.dma_semaphore, #tpu.memory_space<semaphore_mem>>) src(%dma_wait3A_49 : memref<100001x16xf32, #tpu.memory_space<hbm>>) dst(%dma_wait3A_39 : memref<128x16xf32, #tpu.memory_space<vmem>>)
    }
    %scan3A_11 = arith.constant 26 : i32
    %get3A = arith.constant 0 : i32
    %get3A_12 = arith.index_cast %get3A : i32 to index
    %get3A_13 = arith.constant 0 : index
    %get3A_14 = tpu.vector_load %arg9[%get3A_12, %get3A_13] {strides = array<i32>} : memref<5x16xf32, #tpu.memory_space<vmem>>, vector<16xf32>,
    %get3A_15 = arith.constant 1 : i32
    %get3A_16 = arith.index_cast %get3A_15 : i32 to index
    %get3A_17 = arith.constant 0 : index
    %get3A_18 = tpu.vector_load %arg9[%get3A_16, %get3A_17] {strides = array<i32>} : memref<5x16xf32, #tpu.memory_space<vmem>>, vector<16xf32>,
    %get3A_19 = arith.constant 2 : i32
    %get3A_20 = arith.index_cast %get3A_19 : i32 to index
    %get3A_21 = arith.constant 0 : index
    %get3A_22 = tpu.vector_load %arg9[%get3A_20, %get3A_21] {strides = array<i32>} : memref<5x16xf32, #tpu.memory_space<vmem>>, vector<16xf32>,
    %get3A_23 = arith.constant 3 : i32
    %get3A_24 = arith.index_cast %get3A_23 : i32 to index
    %get3A_25 = arith.constant 0 : index
    %get3A_26 = tpu.vector_load %arg9[%get3A_24, %get3A_25] {strides = array<i32>} : memref<5x16xf32, #tpu.memory_space<vmem>>, vector<16xf32>,
    %get3A_27 = arith.constant 4 : i32
    %get3A_28 = arith.index_cast %get3A_27 : i32 to index
    %get3A_29 = arith.constant 0 : index
    %get3A_30 = tpu.vector_load %arg9[%get3A_28, %get3A_29] {strides = array<i32>} : memref<5x16xf32, #tpu.memory_space<vmem>>, vector<16xf32>,
    %scan3A_31 = arith.constant 0 : i32
    %scan3A_32 = arith.constant 128 : i32
    %scan3A_33 = arith.addi %scan3A_31, %scan3A_32 : i32
    %scan3A_34 = arith.constant 1 : i32
    scf.for %scan3A_36 = %scan3A_31 to %scan3A_33 step %scan3A_34  : i32 {
      %broadcast_in_dim3A = arith.constant 0 : i32
      %broadcast_in_dim3A_37 = vector.broadcast %broadcast_in_dim3A : i32 to vector<16xi32>
      %broadcast_in_dim3A_38 = vector.broadcast %scan3A_36 : i32 to vector<16xi32>
      %gather3A = tpu.vector_load_idx %arg8[%broadcast_in_dim3A_37, %broadcast_in_dim3A_38] : memref<4x128xf32, #tpu.memory_space<vmem>>[vector<16xi32>, vector<16xi32>], vector<16xf32>,
      %mul3A_39 = arith.mulf %gather3A, %get3A_14 : vector<16xf32>
      %add3A_40 = arith.addf %get3A_30, %mul3A_39 : vector<16xf32>
      %broadcast_in_dim3A_41 = arith.constant 1 : i32
      %broadcast_in_dim3A_42 = vector.broadcast %broadcast_in_dim3A_41 : i32 to vector<16xi32>
      %broadcast_in_dim3A_43 = vector.broadcast %scan3A_36 : i32 to vector<16xi32>
      %gather3A_44 = tpu.vector_load_idx %arg8[%broadcast_in_dim3A_42, %broadcast_in_dim3A_43] : memref<4x128xf32, #tpu.memory_space<vmem>>[vector<16xi32>, vector<16xi32>], vector<16xf32>,
      %mul3A_45 = arith.mulf %gather3A_44, %get3A_18 : vector<16xf32>
      %add3A_46 = arith.addf %add3A_40, %mul3A_45 : vector<16xf32>
      %broadcast_in_dim3A_47 = arith.constant 2 : i32
      %broadcast_in_dim3A_48 = vector.broadcast %broadcast_in_dim3A_47 : i32 to vector<16xi32>
      %broadcast_in_dim3A_49 = vector.broadcast %scan3A_36 : i32 to vector<16xi32>
      %gather3A_50 = tpu.vector_load_idx %arg8[%broadcast_in_dim3A_48, %broadcast_in_dim3A_49] : memref<4x128xf32, #tpu.memory_space<vmem>>[vector<16xi32>, vector<16xi32>], vector<16xf32>,
      %mul3A_51 = arith.mulf %gather3A_50, %get3A_22 : vector<16xf32>
      %add3A_52 = arith.addf %add3A_46, %mul3A_51 : vector<16xf32>
      %broadcast_in_dim3A_53 = arith.constant 3 : i32
      %broadcast_in_dim3A_54 = vector.broadcast %broadcast_in_dim3A_53 : i32 to vector<16xi32>
      %broadcast_in_dim3A_55 = vector.broadcast %scan3A_36 : i32 to vector<16xi32>
      %gather3A_56 = tpu.vector_load_idx %arg8[%broadcast_in_dim3A_54, %broadcast_in_dim3A_55] : memref<4x128xf32, #tpu.memory_space<vmem>>[vector<16xi32>, vector<16xi32>], vector<16xf32>,
      %mul3A_57 = arith.mulf %gather3A_56, %get3A_26 : vector<16xf32>
      %add3A_58 = arith.addf %add3A_52, %mul3A_57 : vector<16xf32>
      %add3A_59 = arith.constant 3328 : i32
      %add3A_60 = arith.addi %add3A_59, %scan3A_36 : i32
      %swap3A = arith.index_cast %add3A_60 : i32 to index
      %swap3A_61 = arith.constant 0 : index
      %swap3A_62 = tpu.vector_load %arg10[%swap3A, %swap3A_61] {strides = array<i32>} : memref<3456x16xf32, #tpu.memory_space<vmem>>, vector<16xf32>,
      tpu.vector_store %arg10[%swap3A, %swap3A_61], %add3A_58 {strides = array<i32>} : memref<3456x16xf32, #tpu.memory_space<vmem>>, vector<16xf32>,
    }
    %scan3A_35 = arith.constant 128 : i32
    "tpu.region"() ({
      %run_scoped3A = tpu.sem_alloc : memref<!tpu.dma_semaphore, #tpu.memory_space<semaphore_mem>>
      %dma_start3A = arith.constant 0 : i32
      %dma_start3A_36 = arith.constant 0 : i32
      %dma_start3A_37 = tpu.memref_slice %arg6[%add3A, %dma_start3A, %dma_start3A_36] : memref<32x3456x16xf32, #tpu.memory_space<hbm>> -> memref<1x3456x16xf32, #tpu.memory_space<hbm>>
      %dma_start3A_38 = tpu.memref_squeeze %dma_start3A_37 : memref<1x3456x16xf32, #tpu.memory_space<hbm>> -> memref<3456x16xf32, #tpu.memory_space<hbm>>
      %dma_start3A_39 = arith.constant 0 : i32
      %dma_start3A_40 = arith.constant 0 : i32
      %dma_start3A_41 = tpu.memref_slice %arg6[%add3A, %dma_start3A_39, %dma_start3A_40] : memref<32x3456x16xf32, #tpu.memory_space<hbm>> -> memref<1x3456x16xf32, #tpu.memory_space<hbm>>
      %dma_start3A_42 = tpu.memref_squeeze %dma_start3A_41 : memref<1x3456x16xf32, #tpu.memory_space<hbm>> -> memref<3456x16xf32, #tpu.memory_space<hbm>>
      tpu.enqueue_dma source(%arg10 : memref<3456x16xf32, #tpu.memory_space<vmem>>) target(%dma_start3A_42 : memref<3456x16xf32, #tpu.memory_space<hbm>>) target_semaphore(%run_scoped3A : memref<!tpu.dma_semaphore, #tpu.memory_space<semaphore_mem>>)
      %dma_wait3A = arith.constant 0 : i32
      %dma_wait3A_43 = arith.constant 0 : i32
      %dma_wait3A_44 = tpu.memref_slice %arg6[%add3A, %dma_wait3A, %dma_wait3A_43] : memref<32x3456x16xf32, #tpu.memory_space<hbm>> -> memref<1x3456x16xf32, #tpu.memory_space<hbm>>
      %dma_wait3A_45 = tpu.memref_squeeze %dma_wait3A_44 : memref<1x3456x16xf32, #tpu.memory_space<hbm>> -> memref<3456x16xf32, #tpu.memory_space<hbm>>
      %dma_wait3A_46 = arith.constant 0 : i32
      %dma_wait3A_47 = arith.constant 0 : i32
      %dma_wait3A_48 = tpu.memref_slice %arg6[%add3A, %dma_wait3A_46, %dma_wait3A_47] : memref<32x3456x16xf32, #tpu.memory_space<hbm>> -> memref<1x3456x16xf32, #tpu.memory_space<hbm>>
      %dma_wait3A_49 = tpu.memref_squeeze %dma_wait3A_48 : memref<1x3456x16xf32, #tpu.memory_space<hbm>> -> memref<3456x16xf32, #tpu.memory_space<hbm>>
      tpu.wait_dma2 semaphore(%run_scoped3A : memref<!tpu.dma_semaphore, #tpu.memory_space<semaphore_mem>>) src(%arg10 : memref<3456x16xf32, #tpu.memory_space<vmem>>) dst(%dma_wait3A_49 : memref<3456x16xf32, #tpu.memory_space<hbm>>)
      tpu.yield
    }) : () -> ()
    return
  }
}

</mosaic_0001>

<sc_bundles>
// kernel: _run.3.cloned.1.call-start
scs
__scs_entry_jumppad:
0x0: {  	(pc) =	sbr.rel $0x88, $3  }
0x1: {  	(tag) =	ssettag $0x0;
	lr =	simm.s32 $0x1  }
0x2: {  	[smem:$0x3F9D] =	sst lr;
	_ =	strace $0xD0000000  }
0x3: {  	_ = 	snop  }
0x4: {  	_ = 	snop  }
0x5: {  	_ = 	snop  }
0x6: {  	_ = 	snop  }
0x7: {  	_ = 	snop  }
__scs_overlays_trampoline_lowered:
0x8: {  	[smem:$0x3FAC] =	sst s0  }
0x9: {  	[smem:$0x3FAD] =	sst s1  }
0xa: {  	[smem:$0x3FAE] =	sst s2  }
0xb: {  	[smem:$0x3FAF] =	sst s3  }
0xc: {  	[smem:$0x3FB0] =	sst s4  }
0xd: {  	[smem:$0x3FB1] =	sst s5  }
0xe: {  	[smem:$0x3FB2] =	sst s6  }
0xf: {  	[smem:$0x3FB3] =	sst s7  }
0x10: {  	[smem:$0x3FB4] =	sst s8  }
0x11: {  	[smem:$0x3FB5] =	sst s9;
	s0 =	simm.s32 @!p0 $0x0  }
0x12: {  	s1 =	sld [smem:$0x3F9B];
	s0 =	simm.s32 @p0 $0x1  }
0x13: {  	[smem:$0x3FB6] =	sst s0;
	s0 =	simm.s32 @!p1 $0x0  }
0x14: {  	s2 =	sld [smem:$0x3F9A];
	s0 =	simm.s32 @p1 $0x1  }
0x15: {  	[smem:$0x3FB7] =	sst s0;
	s0 =	simm.s32 @!p2 $0x0  }
0x16: {  	s3 =	sld [smem:$0x3FDB];
	s0 =	simm.s32 @p2 $0x1  }
0x17: {  	s4 =	simm.s32 $0x1BF5;
	[smem:$0x3FB9] =	sst s0  }
0x18: {  	s0 =	sld [smem:$0x3F9C];
	_ =	swait.ge [sflag:s4], $0x0  }
0x19: {  	s7 =	sld [smem:$0x3F9D]  }
0x1a: {  	s8 =	sadd.s32 $0xFFFFE003, lr  }
0x1b: {  	s9 =	sadd.s32 $0xFFFFFEF7, lr;
	s5 =	simm.s32 $0xFFFFFFFF;
	p2 =	slt.u32 s8, $0xFFFFF086  }
0x1c: {  	p1 =	slt.u32 s9, $0xF7A;
	s5 =	simm.s32 @!p2 $0x0  }
0x1d: {  	s5 =	simm.s32 @p1 $0x1;
	p0 =	seq.s32 s7, s2  }
0x1e: {  	s7 =	smul.u32 @!p0 $0xF7A, s2;
	p2 =	seq.s32 @!p0 s5, $0x0  }
0x1f: {  	s9 =	smul.u32 $0xF7A, s1;
	s8 =	simm.s32 @!p0 $0x1BF5;
	p2 =	por !p2, p0  }
0x20: {  	[sflag:s8] =	ssyncset.s32 @!p0 $0xFFFFF086;
	s6 =	sadd.s32 @!p0 s3, s7;
	s7 =	simm.s32 @!p0 $0x108  }
0x21: {  	s3 =	sadd.s32 s3, s9;
	s6 =	sadd.s32 @!p0 $0x88, s6;
	s7 =	simm.s32 @p2 $0x1082  }
0x22: {  	[simem:s7], [sflag:s8] =	dma.local @!p0 [hbm:s6], $0xF7A  }
0x23: {  	s9 =	sor.u32 $0xD0000000, s2;
	s6 =	simm.s32 $0x108;
	_ =	swait.ge @!p0 [sflag:s8], $0x0  }
0x24: {  	s3 =	sadd.s32 $0x88, s3;
	s6 =	simm.s32 @!p1 $0x1082;
	[sflag:s4] =	ssyncset.s32 $0xFFFFF086  }
0x25: {  	[simem:s6], [sflag:s4] =	dma.local [hbm:s3], $0xF7A  }
0x26: {  	[smem:$0x3F9D] =	sst s1;
	(tag) =	ssettag s2;
	_ =	strace s9  }
0x27: {  	s1 =	sld [smem:$0x3FAD]  }
0x28: {  	s2 =	sld [smem:$0x3FAE]  }
0x29: {  	s4 =	sld [smem:$0x3FB0]  }
0x2a: {  	p0 =	seq.s32 s5, $0x0;
	s5 =	sld [smem:$0x3FB1]  }
0x2b: {  	s6 =	sld [smem:$0x3FB2]  }
0x2c: {  	s7 =	sld [smem:$0x3FB3]  }
0x2d: {  	s3 =	simm.s32 $0x108;
	s8 =	sld [smem:$0x3FB4]  }
0x2e: {  	s3 =	simm.s32 @!p0 $0x1082;
	s9 =	sld [smem:$0x3FB5]  }
0x2f: {  	lr =	sadd.s32 s0, s3;
	s0 =	sld [smem:$0x3FAC]  }
0x30: {  	s3 =	sld [smem:$0x3FAF]  }
0x31: {  	[smem:$0x3FB8] =	sst s10  }
0x32: {  	s10 =	sld [smem:$0x3FB6];
	_ =	sdelay $0x3  }
0x33: {  	p0 =	seq.s32 s10, $0x1;
	s10 =	sld [smem:$0x3FB8];
	_ =	sdelay $0x3  }
0x34: {  	[smem:$0x3FB8] =	sst s10  }
0x35: {  	s10 =	sld [smem:$0x3FB7];
	_ =	sdelay $0x3  }
0x36: {  	p1 =	seq.s32 s10, $0x1;
	s10 =	sld [smem:$0x3FB8];
	_ =	sdelay $0x3  }
0x37: {  	[smem:$0x3FB8] =	sst s10  }
0x38: {  	s10 =	sld [smem:$0x3FB9]  }
0x39: {  	_ = 	snop;
	(pc) =	sbr.ind lr, $3  }
0x3a: {  	_ = 	snop  }
0x3b: {  	_ = 	snop  }
0x3c: {  	p2 =	seq.s32 s10, $0x1;
	s10 =	sld [smem:$0x3FB8]  }
0x3d: {  	_ =	shalt  }
0x3e: {  	_ =	shalt  }
0x3f: {  	_ =	shalt  }
0x40: {  	_ =	shalt  }
0x41: {  	_ =	shalt  }
0x42: {  	_ =	shalt  }
0x43: {  	_ =	shalt  }
0x44: {  	_ =	shalt  }
0x45: {  	_ =	shalt  }
0x46: {  	_ =	shalt  }
0x47: {  	_ =	shalt  }
0x48: {  	_ =	shalt  }
0x49: {  	_ =	shalt  }
0x4a: {  	_ =	shalt  }
0x4b: {  	_ =	shalt  }
0x4c: {  	_ =	shalt  }
0x4d: {  	_ =	shalt  }
0x4e: {  	_ =	shalt  }
0x4f: {  	_ =	shalt  }
0x50: {  	_ =	shalt  }
0x51: {  	_ =	shalt  }
0x52: {  	_ =	shalt  }
0x53: {  	_ =	shalt  }
0x54: {  	_ =	shalt  }
0x55: {  	_ =	shalt  }
0x56: {  	_ =	shalt  }
0x57: {  	_ =	shalt  }
0x58: {  	_ =	shalt  }
0x59: {  	_ =	shalt  }
0x5a: {  	_ =	shalt  }
0x5b: {  	_ =	shalt  }
0x5c: {  	_ =	shalt  }
0x5d: {  	_ =	shalt  }
0x5e: {  	_ =	shalt  }
0x5f: {  	_ =	shalt  }
0x60: {  	_ =	shalt  }
0x61: {  	_ =	shalt  }
0x62: {  	_ =	shalt  }
0x63: {  	_ =	shalt  }
0x64: {  	_ =	shalt  }
0x65: {  	_ =	shalt  }
0x66: {  	_ =	shalt  }
0x67: {  	_ =	shalt  }
0x68: {  	_ =	shalt  }
0x69: {  	_ =	shalt  }
0x6a: {  	_ =	shalt  }
0x6b: {  	_ =	shalt  }
0x6c: {  	_ =	shalt  }
0x6d: {  	_ =	shalt  }
0x6e: {  	_ =	shalt  }
0x6f: {  	_ =	shalt  }
0x70: {  	_ =	shalt  }
0x71: {  	_ =	shalt  }
0x72: {  	_ =	shalt  }
0x73: {  	_ =	shalt  }
0x74: {  	_ =	shalt  }
0x75: {  	_ =	shalt  }
0x76: {  	_ =	shalt  }
0x77: {  	_ =	shalt  }
0x78: {  	_ =	shalt  }
0x79: {  	_ =	shalt  }
0x7a: {  	_ =	shalt  }
0x7b: {  	_ =	shalt  }
0x7c: {  	_ =	shalt  }
0x7d: {  	_ =	shalt  }
0x7e: {  	_ =	shalt  }
0x7f: {  	_ =	shalt  }
0x80: {  	_ =	shalt  }
0x81: {  	_ =	shalt  }
0x82: {  	_ =	shalt  }
0x83: {  	_ =	shalt  }
0x84: {  	_ =	shalt  }
0x85: {  	_ =	shalt  }
0x86: {  	_ =	shalt  }
0x87: {  	_ =	shalt  }
.Lfunc_end0:
.L_simem_size_0:
called_computation_lowered:
.L_overlay_start_0:
0x88: {  	s2 =	sld [smem:$0x3FD9]  }
0x89: {  	s3 =	sld [smem:$0x3FFE];
	_ =	sdelay $0x1  }
0x8a: {  	s1 =	srdreg.scid  }
0x8b: {  	s0 =	sand.u32 $0x1, s1  }
0x8c: {  	s17 =	sshll.u32 s0, $0xA;
	s2 =	sadd.s32 s3, s2  }
0x8d: {  	s2 =	sadd.s32 s2, s17  }
0x8e: {  	[smem:$0x3FC4] =	sst s2  }
0x8f: {  	_ = 	snop  }
0x90: {  	s2 =	sld [smem:$0x3FD0];
	(tm) =	ssettm $0x1  }
0x91: {  	s18 =	sld [smem:$0x3FFB];
	_ =	sdelay $0x3  }
0x92: {  	_ =	strace s18  }
0x93: {  	s3 =	sld [smem:$0x3FFC];
	_ =	sdelay $0x3  }
0x94: {  	_ =	strace s3  }
0x95: {  	s3 =	sld [smem:$0x3FFD];
	_ =	sdelay $0x3  }
0x96: {  	_ =	strace s3  }
0x97: {  	_ =	strace $0x8FFFFFFF  }
0x98: {  	s19 =	sld [smem:$0x3FDB];
	_ =	sdelay $0x1  }
0x99: {  	s4 =	simm.s32 $_scs_section_size  }
0x9a: {  	s5 =	simm.s32 $_size__tile_overlayer_lowered;
	s6 =	simm.s32 $_tile_overlayer_lowered  }
0x9b: {  	s22 =	simm.s32 $0x1BFF;
	s21 =	sshll.u32 s6, $0x1;
	s3 =	sadd.s32 s4, s19  }
0x9c: {  	s7 =	simm.s32 $0x0;
	s20 =	sshll.u32 s5, $0x1;
	s5 =	sadd.s32 s21, s3  }
0x9d: {  	[timem:s7], [sflag:s22] =	dma.local [hbm:s5], s20  }
0x9e: {  	_ =	swait.ge [sflag:s22], s20  }
0x9f: {  	s4 =	ssub.s32 $0x0, s20;
	[sflag:s22] =	ssyncset.done $0x0  }
0xa0: {  	[sflag:s22] =	ssyncadd.s32 s4;
	_ =	sdelay $0x1  }
0xa1: {  	s23 =	simm.s32 $0x1B8B  }
0xa2: {  	_ =	swait.ge [sflag:s23], $0x1  }
0xa3: {  	[sflag:s23] =	ssyncset.done $0x0  }
0xa4: {  	s25 =	simm.s32 $0x1B8E;
	s24 =	sld [smem:$0x3FFE];
	[sflag:s23] =	ssyncadd.s32 $0xFFFFFFFF  }
0xa5: {  	s26 =	simm.s32 $execute0_lowered;
	[smem:$0x3FD2] =	sst s25  }
0xa6: {  	s5 =	sshll.u32 s26, $0x1;
	_ =	strace $0x80000046;
	[dreg:$0x1] =	wrdreg $0xFFFFFFFF  }
0xa7: {  	s28 =	simm.s32 $_size_execute0_lowered;
	s3 =	sadd.s32 s3, s5;
	[dreg:$0x0] =	wrdreg $0x0  }
0xa8: {  	s5 =	sshll.u32 s28, $0x1;
	[dreg:$0x2] =	wrdreg s3  }
0xa9: {  	[dreg:$0x3] =	wrdreg s5  }
0xaa: {  	[dreg:$0x4] =	wrdreg $0xC0  }
0xab: {  	_ =	task [dreg:s7], $0x5FFFF  }
0xac: {  	[dreg:$0x1] =	wrdreg $0xFFFFFFFF  }
0xad: {  	[dreg:$0x0] =	wrdreg $0x60  }
0xae: {  	[dreg:$0x2] =	wrdreg s24  }
0xaf: {  	[dreg:$0x3] =	wrdreg s2  }
0xb0: {  	[dreg:$0x4] =	wrdreg $0x9  }
0xb1: {  	_ =	task.clear_ibuf [dreg:s7], $0x5FFFF;
	_ =	strace $0x90000046  }
0xb2: {  	s29 =	simm.s32 $0x9;
	_ =	strace $0x80000048  }
0xb3: {  	_ =	swait.ge [sflag:s29], $0x1  }
0xb4: {  	[sflag:s29] =	ssyncadd.s32 $0xFFFFFFFF  }
0xb5: {  	_ =	strace $0x90000048  }
0xb6: {  	_ =	sfence  }
0xb7: {  	s30 =	sld [smem:$0x0];
	_ =	sdelay $0x2  }
0xb8: {  	s31 =	sshll.u32 s1, $0xD;
	s1 =	sshrl.u32 s1, $0x2  }
0xb9: {  	s3 =	sand.u32 $0x4000, s31;
	s1 =	sadd.s32 s1, s30  }
0xba: {  	s0 =	sor.u32 s3, s0;
	s1 =	sshll.u32 s1, $0x11  }
0xbb: {  	s0 =	sor.u32 s1, s0  }
0xbc: {  	s0 =	sadd.s32 $0x8F2B, s0  }
0xbd: {  	[sflag:s0] =	ssyncadd.remote.s32 $0x1  }
0xbe: {  	_ =	sfence.sel $0xFFFF  }
0xbf: {  	[dreg:$0x0] =	wrdreg $0xFFFFFFFF;
	(pc) =	sbr.abs _section_cstart, $3  }
0xc0: {  	[dreg:$0x1] =	wrdreg $0xFFFFFFFF  }
0xc1: {  	_ =	task.clear_ibuf [dreg:s7], $0x2FFFF;
	_ =	strace $0x9FFFFFFF  }
0xc2: {  	(tm) =	ssettm $0x7FFFFFFF  }
0xc3: {  	_ =	shalt  }
tec
execute0_lowered:
.L_overlay_start_1:
0x0: {  	(tag) =	ssettag $0x1  }
0x1: {  	s4 =	rddreg [dreg:$0x0]  }
0x2: {  	s7 =	rddreg [dreg:$0x1]  }
0x3: {  	s0 =	rddreg [dreg:$0x2];
	s1 =	simm.s32 $0x0  }
0x4: {  	s2 =	srdreg.scid;
	s11 =	simm.s32 $0x2;
	s12 =	simm.s32 $0xD00  }
0x5: {  	s13 =	simm.s32 $0xF00;
	s14 =	simm.s32 $0x1;
	s15 =	simm.s32 $0xF50  }
0x6: {  	s16 =	simm.s32 $0x0;
	[smem:$0x7FF] =	sst s1;
	s5 =	sand.u32 $0x1, s2  }
0x7: {  	s2 =	stileid.u32;
	s3 =	sadd.s32 $0x10800, s4;
	s6 =	sshll.u32 s5, $0x4  }
0x8: {  	_ =	strace $0x80000047;
	s5 =	ssub.s32 $0x2, s5;
	s6 =	sor.u32 s2, s6  }
0x9: {  	s9 =	sshrl.u32 s5, $0x1;
	s8 =	sshll.u32 s6, $0x4;
	s10 =	smul.u32 $0x1B00, s6  }
0xa: {  	s31 =	ssub.s32 s5, s9;
	s9 =	simm.s32 $0x80;
	s30 =	sadd.s32 s8, s4  }
0xb: {  	s4 =	sadd.s32 $0x3A62E00, s4;
	s8 =	smax.u32 s31, $0x1;
	s5 =	sadd.s32 $0x3A63800, s30  }
0xc: {  	s6 =	sadd.s32 $0x3A63000, s30;
	s7 =	sadd.s32 s7, s10;
	s10 =	simm.s32 $0x1000  }
.LBB2_1:
0xd: {  	[tilespmem:s1], [sflag:$0x2] =	stream.strided.gather [hbm4b:s5+s9], $0xD00, s10, s9, $0x38;
	[tilespmem:$0xE750] =	vst v63  }
0xe: {  	_ =	swait.ge [sflag:s11], $0xD00  }
0xf: {  	[sflag:s11] =	ssyncset.done $0x0  }
0x10: {  	[sflag:s11] =	ssyncadd.s32 $0xFFFFF300  }
0x11: {  	[tilespmem:s12], [sflag:$0x2] =	stream.strided.gather [hbm4b:s6+s9], $0x200, s10, s9, $0x38;
	[tilespmem:$0xE750] =	vst v63  }
0x12: {  	_ =	swait.ge [sflag:s11], $0x200  }
0x13: {  	[sflag:s11] =	ssyncset.done $0x0  }
0x14: {  	[sflag:s11] =	ssyncadd.s32 $0xFFFFFE00  }
0x15: {  	[tilespmem:s13], [sflag:$0x2] =	stream.linear.gather [hbm4b:s4+s1], $0x50, $0x38;
	[tilespmem:$0xE750] =	vst v63  }
0x16: {  	s17 =	simm.s32 $0x200;
	s22 =	simm.s32 $0x0;
	_ =	swait.ge [sflag:s11], $0x50  }
0x17: {  	s18 =	simm.s32 $0x1750;
	s19 =	sadd.s32 $0x30D42, s3;
	[sflag:s11] =	ssyncset.done $0x0  }
0x18: {  	s20 =	simm.s32 $0xF50;
	s21 =	smov.u32 s3;
	[sflag:s11] =	ssyncadd.s32 $0xFFFFFFB0  }
.LBB2_2:
0x19: {  	[tilespmem:s20], [sflag:$0x1] =	stream.indirect.gather [hbm4b:s21+s9], $0x10, s22, s9, $0xb8;
	[tilespmem:$0xE750] =	vst v63  }
0x1a: {  	s22 =	smov.u32 s17  }
0x1b: {  	s20 =	smov.u32 s18;
	s21 =	smov.u32 s19;
	p0 =	sne.s32 s17, $0x3200  }
.Ltmp0:
0x1c: {  	s17 =	sadd.s32 $0x200, s17;
	(pc) =	sbr.rel @p0 .LBB2_2-.Ltmp0, $2  }
0x1d: {  	_ =	sdelay $0x2  }
0x1e: {  	s18 =	sadd.s32 $0x800, s18;
	s19 =	sadd.s32 $0x30D42, s19;
	s22 =	sshra.s32 s22, $0x2  }
0x1f: {  	[tilespmem:s20], [sflag:$0x1] =	stream.indirect.gather [hbm4b:s21+s9], $0x10, s22, s9, $0xb8;
	[tilespmem:$0xE750] =	vst v63  }
0x20: {  	_ =	swait.ge [sflag:s14], $0x800  }
0x21: {  	[sflag:s14] =	ssyncset.done $0x0  }
0x22: {  	[sflag:s14] =	ssyncadd.s32 $0xFFFFF800  }
0x23: {  	_ =	swait.ge [sflag:s14], $0x800  }
0x24: {  	[sflag:s14] =	ssyncset.done $0x0  }
0x25: {  	[sflag:s14] =	ssyncadd.s32 $0xFFFFF800  }
0x26: {  	_ =	swait.ge [sflag:s14], $0x800  }
0x27: {  	[sflag:s14] =	ssyncset.done $0x0  }
0x28: {  	[sflag:s14] =	ssyncadd.s32 $0xFFFFF800  }
0x29: {  	_ =	swait.ge [sflag:s14], $0x800  }
0x2a: {  	[sflag:s14] =	ssyncset.done $0x0  }
0x2b: {  	[sflag:s14] =	ssyncadd.s32 $0xFFFFF800  }
0x2c: {  	_ =	swait.ge [sflag:s14], $0x800  }
0x2d: {  	[sflag:s14] =	ssyncset.done $0x0  }
0x2e: {  	[sflag:s14] =	ssyncadd.s32 $0xFFFFF800  }
0x2f: {  	_ =	swait.ge [sflag:s14], $0x800  }
0x30: {  	[sflag:s14] =	ssyncset.done $0x0  }
0x31: {  	[sflag:s14] =	ssyncadd.s32 $0xFFFFF800  }
0x32: {  	_ =	swait.ge [sflag:s14], $0x800  }
0x33: {  	[sflag:s14] =	ssyncset.done $0x0  }
0x34: {  	[sflag:s14] =	ssyncadd.s32 $0xFFFFF800  }
0x35: {  	_ =	swait.ge [sflag:s14], $0x800  }
0x36: {  	[sflag:s14] =	ssyncset.done $0x0  }
0x37: {  	[sflag:s14] =	ssyncadd.s32 $0xFFFFF800  }
0x38: {  	_ =	swait.ge [sflag:s14], $0x800  }
0x39: {  	[sflag:s14] =	ssyncset.done $0x0  }
0x3a: {  	[sflag:s14] =	ssyncadd.s32 $0xFFFFF800  }
0x3b: {  	_ =	swait.ge [sflag:s14], $0x800  }
0x3c: {  	[sflag:s14] =	ssyncset.done $0x0  }
0x3d: {  	[sflag:s14] =	ssyncadd.s32 $0xFFFFF800  }
0x3e: {  	_ =	swait.ge [sflag:s14], $0x800  }
0x3f: {  	[sflag:s14] =	ssyncset.done $0x0  }
0x40: {  	[sflag:s14] =	ssyncadd.s32 $0xFFFFF800  }
0x41: {  	_ =	swait.ge [sflag:s14], $0x800  }
0x42: {  	[sflag:s14] =	ssyncset.done $0x0  }
0x43: {  	[sflag:s14] =	ssyncadd.s32 $0xFFFFF800  }
0x44: {  	_ =	swait.ge [sflag:s14], $0x800  }
0x45: {  	[sflag:s14] =	ssyncset.done $0x0  }
0x46: {  	[sflag:s14] =	ssyncadd.s32 $0xFFFFF800  }
0x47: {  	_ =	swait.ge [sflag:s14], $0x800  }
0x48: {  	[sflag:s14] =	ssyncset.done $0x0  }
0x49: {  	[sflag:s14] =	ssyncadd.s32 $0xFFFFF800  }
0x4a: {  	_ =	swait.ge [sflag:s14], $0x800  }
0x4b: {  	[sflag:s14] =	ssyncset.done $0x0  }
0x4c: {  	[sflag:s14] =	ssyncadd.s32 $0xFFFFF800  }
0x4d: {  	_ =	swait.ge [sflag:s14], $0x800  }
0x4e: {  	[sflag:s14] =	ssyncset.done $0x0  }
0x4f: {  	[sflag:s14] =	ssyncadd.s32 $0xFFFFF800  }
0x50: {  	_ =	swait.ge [sflag:s14], $0x800  }
0x51: {  	[sflag:s14] =	ssyncset.done $0x0  }
0x52: {  	[sflag:s14] =	ssyncadd.s32 $0xFFFFF800  }
0x53: {  	_ =	swait.ge [sflag:s14], $0x800  }
0x54: {  	[sflag:s14] =	ssyncset.done $0x0  }
0x55: {  	[sflag:s14] =	ssyncadd.s32 $0xFFFFF800  }
0x56: {  	_ =	swait.ge [sflag:s14], $0x800  }
0x57: {  	[sflag:s14] =	ssyncset.done $0x0  }
0x58: {  	[sflag:s14] =	ssyncadd.s32 $0xFFFFF800  }
0x59: {  	_ =	swait.ge [sflag:s14], $0x800  }
0x5a: {  	[sflag:s14] =	ssyncset.done $0x0  }
0x5b: {  	[sflag:s14] =	ssyncadd.s32 $0xFFFFF800  }
0x5c: {  	_ =	swait.ge [sflag:s14], $0x800  }
0x5d: {  	[sflag:s14] =	ssyncset.done $0x0  }
0x5e: {  	[sflag:s14] =	ssyncadd.s32 $0xFFFFF800  }
0x5f: {  	_ =	swait.ge [sflag:s14], $0x800  }
0x60: {  	[sflag:s14] =	ssyncset.done $0x0  }
0x61: {  	[sflag:s14] =	ssyncadd.s32 $0xFFFFF800  }
0x62: {  	_ =	swait.ge [sflag:s14], $0x800  }
0x63: {  	[sflag:s14] =	ssyncset.done $0x0  }
0x64: {  	[sflag:s14] =	ssyncadd.s32 $0xFFFFF800  }
0x65: {  	_ =	swait.ge [sflag:s14], $0x800  }
0x66: {  	[sflag:s14] =	ssyncset.done $0x0  }
0x67: {  	[sflag:s14] =	ssyncadd.s32 $0xFFFFF800  }
0x68: {  	_ =	swait.ge [sflag:s14], $0x800  }
0x69: {  	[sflag:s14] =	ssyncset.done $0x0  }
0x6a: {  	s17 =	simm.s32 $0x0;
	[sflag:s14] =	ssyncadd.s32 $0xFFFFF800  }
0x6b: {  	v2 =	vmov s17;
	_ =	swait.ge [sflag:s14], $0x800  }
0x6c: {  	v3 =	vand.u32 $0x7F, v2;
	[sflag:s14] =	ssyncset.done $0x0  }
0x6d: {  	v5 =	vor.u32 $0x80, v3;
	[sflag:s14] =	ssyncadd.s32 $0xFFFFF800  }
0x6e: {  	v1 =	vld [tilespmem:$0xF00]  }
0x6f: {  	v6 =	vor.u32 $0x100, v3;
	v0 =	vld [tilespmem:$0xF10]  }
0x70: {  	v7 =	vld.idx.msk [tilespmem:v2+s12+$0x0], $0xffff  }
0x71: {  	v8 =	vor.u32 $0x180, v3;
	v4 =	vld [tilespmem:$0xF40]  }
0x72: {  	v5 =	vld.idx.msk [tilespmem:v5+s12+$0x0], $0xffff  }
0x73: {  	v2 =	vld [tilespmem:$0xF20]  }
0x74: {  	v6 =	vld.idx.msk [tilespmem:v6+s12+$0x0], $0xffff  }
0x75: {  	v3 =	vld [tilespmem:$0xF30];
	v7 =	vmul.f32 v7, v1  }
0x76: {  	v8 =	vld.idx.msk [tilespmem:v8+s12+$0x0], $0xffff  }
0x77: {  	v5 =	vmul.f32 v5, v0;
	v7 =	vadd.f32 v7, v4;
	_ =	sdelay $0x1  }
0x78: {  	v6 =	vmul.f32 v6, v2;
	v5 =	vadd.f32 v5, v7  }
0x79: {  	s31 =	simm.s32 $0x1  }
0x7a: {  	v7 =	vmov s31;
	v5 =	vadd.f32 v6, v5;
	v6 =	vmul.f32 v8, v3  }
0x7b: {  	v8 =	vand.u32 $0x7F, v7  }
0x7c: {  	v9 =	vor.u32 $0x80, v8;
	v5 =	vadd.f32 v6, v5  }
0x7d: {  	s17 =	simm.s32 $0xDF50  }
0x7e: {  	v6 =	vor.u32 $0x100, v8;
	[tilespmem:s17+$0x0] =	vst v5  }
0x7f: {  	v5 =	vld.idx.msk [tilespmem:v7+s12+$0x0], $0xffff  }
0x80: {  	v7 =	vor.u32 $0x180, v8  }
0x81: {  	v8 =	vld.idx.msk [tilespmem:v9+s12+$0x0], $0xffff;
	_ =	sdelay $0x1  }
0x82: {  	v6 =	vld.idx.msk [tilespmem:v6+s12+$0x0], $0xffff  }
0x83: {  	v5 =	vmul.f32 v5, v1  }
0x84: {  	v7 =	vld.idx.msk [tilespmem:v7+s12+$0x0], $0xffff  }
0x85: {  	v8 =	vmul.f32 v8, v0;
	v5 =	vadd.f32 v5, v4;
	_ =	sdelay $0x1  }
0x86: {  	v6 =	vmul.f32 v6, v2;
	v8 =	vadd.f32 v8, v5  }
0x87: {  	s18 =	simm.s32 $0x2  }
0x88: {  	v5 =	vmov s18;
	s18 =	simm.s32 $0x3;
	v7 =	vmul.f32 v7, v3;
	v6 =	vadd.f32 v6, v8  }
.LBB2_4:
0x89: {  	p0 =	sne.s32 s18, $0x7F;
	v8 =	vand.u32 $0x7F, v5  }
0x8a: {  	v9 =	vor.u32 $0x80, v8;
	v6 =	vadd.f32 v7, v6  }
0x8b: {  	s17 =	sadd.s32 $0x10, s17  }
0x8c: {  	v7 =	vor.u32 $0x100, v8;
	[tilespmem:s17+$0x0] =	vst v6  }
0x8d: {  	v5 =	vld.idx.msk [tilespmem:v5+s12+$0x0], $0xffff  }
0x8e: {  	v6 =	vor.u32 $0x180, v8  }
0x8f: {  	v8 =	vld.idx.msk [tilespmem:v9+s12+$0x0], $0xffff;
	_ =	sdelay $0x1  }
0x90: {  	v7 =	vld.idx.msk [tilespmem:v7+s12+$0x0], $0xffff;
	_ =	sdelay $0x1  }
0x91: {  	v5 =	vmul.f32 v5, v1;
	v9 =	vld.idx.msk [tilespmem:v6+s12+$0x0], $0xffff;
	_ =	sdelay $0x1  }
.Ltmp1:
0x92: {  	v5 =	vadd.f32 v5, v4;
	v6 =	vmul.f32 v8, v0;
	(pc) =	sbr.rel @p0 .LBB2_4-.Ltmp1, $3  }
0x93: {  	_ = 	snop  }
0x94: {  	v6 =	vadd.f32 v6, v5;
	v7 =	vmul.f32 v7, v2;
	_ =	sdelay $0x1  }
0x95: {  	v5 =	vmov s18;
	s18 =	sadd.s32 $0x1, s18;
	v6 =	vadd.f32 v7, v6;
	v7 =	vmul.f32 v9, v3  }
0x96: {  	v8 =	vand.u32 $0x7F, v5  }
0x97: {  	v9 =	vor.u32 $0x80, v8;
	v6 =	vadd.f32 v7, v6  }
0x98: {  	s17 =	sadd.s32 $0x10, s17  }
0x99: {  	v57 =	vor.u32 $0x100, v8;
	[tilespmem:s17+$0x0] =	vst v6  }
0x9a: {  	v58 =	vld.idx.msk [tilespmem:v5+s12+$0x0], $0xffff  }
0x9b: {  	v59 =	vor.u32 $0x180, v8  }
0x9c: {  	v60 =	vld.idx.msk [tilespmem:v9+s12+$0x0], $0xffff;
	_ =	sdelay $0x1  }
0x9d: {  	v7 =	vld.idx.msk [tilespmem:v57+s12+$0x0], $0xffff  }
0x9e: {  	v1 =	vmul.f32 v58, v1  }
0x9f: {  	v61 =	vld.idx.msk [tilespmem:v59+s12+$0x0], $0xffff  }
0xa0: {  	v1 =	vadd.f32 v1, v4;
	v0 =	vmul.f32 v60, v0;
	_ =	sdelay $0x1  }
0xa1: {  	v62 =	vmul.f32 v7, v2;
	v0 =	vadd.f32 v0, v1;
	_ =	sdelay $0x1  }
0xa2: {  	v63 =	vmul.f32 v61, v3;
	v0 =	vadd.f32 v62, v0;
	_ =	sdelay $0x1  }
0xa3: {  	s16 =	sadd.s32 $0x1, s16;
	v0 =	vadd.f32 v63, v0  }
0xa4: {  	p0 =	sne.s32 s16, s8;
	s17 =	sadd.s32 $0x10, s17  }
.Ltmp2:
0xa5: {  	[tilespmem:s17+$0x0] =	vst v0;
	(pc) =	sbr.rel @p0 .LBB2_1-.Ltmp2, $4  }
0xa6: {  	[hbm4b:s7+s1] =	stream.linear.scatter [tilespmem:s15], [sflag:$0x2], $0xD800, $0x38;
	[tilespmem:$0xE750] =	vst v63  }
0xa7: {  	_ =	swait.ge [sflag:s11], $0xD800  }
0xa8: {  	[sflag:s11] =	ssyncset.done $0x0  }
0xa9: {  	[sflag:s11] =	ssyncadd.s32 $0xFFFF2800  }
0xaa: {  	_ =	sfence.sel $0x180000  }
0xab: {  	[bflag:$0x0] =	sbarrier.arrive $0xFFFF  }
0xac: {  	p0 =	sne.s32 s2, $0x0;
	_ =	strace $0x90000047  }
0xad: {  	s0 =	sadd.s32 @!p0 $0x100000, s0;
	[bflag:$0x2] =	sbarrier.arrive $0xFFFF  }
0xae: {  	[sflag:s0] =	ssyncadd.tile.s32 @!p0 $0x1;
	_ =	shalt  }
.Lfunc_end2:
_tile_overlayer_lowered:
.L_overlay_start_2:
0xaf: {  	(tag) =	ssettag $0x2  }
0xb0: {  	s0 =	rddreg [dreg:$0x0];
	s2 =	stileid.u32  }
0xb1: {  	s1 =	rddreg [dreg:$0x1];
	p0 =	sne.s32 s2, $0x0  }
0xb2: {  	s3 =	rddreg [dreg:$0x2];
	[bflag:$0x3] =	sbarrier.arrive $0xFFFF;
	s2 =	simm.s32 @!p0 $0x1C02  }
0xb3: {  	[timem:s3], [sflag:s2] =	dma.local @!p0 [hbm:s0], s1  }
0xb4: {  	s0 =	simm.s32 @!p0 $0x2  }
0xb5: {  	_ =	swait.ge @!p0 [sflag:s0], s1  }
0xb6: {  	s1 =	ssub.s32 @!p0 $0x0, s1;
	[sflag:s0] =	ssyncset.done @!p0 $0x0  }
0xb7: {  	[sflag:s0] =	ssyncadd.s32 @!p0 s1  }
0xb8: {  	[bflag:$0x3] =	sbarrier.arrive $0xFFFF  }
0xb9: {  	_ =	shalt  }

</sc_bundles>
